<compile_context>
chip_gen: v7x
topology: tpu7x:2x2x1
jax: 0.10.2.dev20260603
libtpu: 0.0.44.dev20260713+nightly
codegen_flags: <defaults>
</compile_context>

<pallas_src>
import functools

import jax
import jax.numpy as jnp
from jax import lax
from jax.experimental import pallas as pl
from jax.experimental.pallas import tpu as pltpu
from jax.experimental.pallas import tpu_sc as plsc

E = 8
K = 2
D = 768
H = 2048
N = 2048
BLK = 256
NB = N * K // BLK + E - 1
NB = 24
NSLOT = NB * BLK
NW = 32
TPW = N // NW


def _route_kernel(x_ref, gate_w_ref, gate_b_ref,
                  pos_ref, w_ref, cmap_ref, rexp_ref):
    xb = x_ref[...]
    logits = jnp.dot(xb.astype(jnp.bfloat16),
                     gate_w_ref[...].astype(jnp.bfloat16),
                     preferred_element_type=jnp.float32) + gate_b_ref[...]
    eio = lax.broadcasted_iota(jnp.int32, (N, E), 1)
    m1 = jnp.max(logits, axis=1, keepdims=True)
    a1 = jnp.min(jnp.where(logits == m1, eio, E), axis=1, keepdims=True)
    lm = jnp.where(eio == a1, -jnp.inf, logits)
    m2 = jnp.max(lm, axis=1, keepdims=True)
    a2 = jnp.min(jnp.where(lm == m2, eio, E), axis=1, keepdims=True)
    t = jnp.exp(m2 - m1)
    w1 = 1.0 / (1.0 + t)
    w2 = t / (1.0 + t)

    oh = (jnp.where(eio == a1, 1.0, 0.0) + jnp.where(eio == a2, 1.0, 0.0))

    tio_r = lax.broadcasted_iota(jnp.int32, (N, N), 0)
    tio_c = lax.broadcasted_iota(jnp.int32, (N, N), 1)
    ltri = jnp.where(tio_c < tio_r, 1.0, 0.0).astype(jnp.bfloat16)
    pcum = jnp.dot(ltri, oh.astype(jnp.bfloat16),
                   preferred_element_type=jnp.float32)

    counts = jnp.sum(oh, axis=0, keepdims=True)
    padded = jnp.ceil(counts * (1.0 / BLK)) * BLK
    eio8_r = lax.broadcasted_iota(jnp.int32, (E, E), 0)
    eio8_c = lax.broadcasted_iota(jnp.int32, (E, E), 1)
    sut = jnp.where(eio8_r < eio8_c, 1.0, 0.0).astype(jnp.bfloat16)
    starts = jnp.dot(padded.astype(jnp.bfloat16), sut,
                     preferred_element_type=jnp.float32)

    starts_b = jnp.broadcast_to(starts, (N, E))
    base = starts_b + pcum
    pos1 = jnp.sum(jnp.where(eio == a1, base, 0.0), axis=1, keepdims=True)
    pos2 = jnp.sum(jnp.where(eio == a2, base, 0.0), axis=1, keepdims=True)
    pos_ref[...] = jnp.concatenate([pos1, pos2], axis=1).astype(jnp.int32)
    w_ref[...] = jnp.concatenate([w1, w2], axis=1)

    bio = lax.broadcasted_iota(jnp.int32, (128, E), 0).astype(jnp.float32) * float(BLK)
    s_b = jnp.broadcast_to(starts, (128, E))
    p_b = jnp.broadcast_to(padded, (128, E))
    inr = jnp.where((bio >= s_b) & (bio < s_b + p_b), 1.0, 0.0)
    eval_ = lax.broadcasted_iota(jnp.int32, (128, E), 1).astype(jnp.float32)
    used = jnp.sum(inr, axis=1, keepdims=True)
    uexp = jnp.where(padded > 0.0, 1.0, 0.0)
    rank = jnp.dot(uexp.astype(jnp.bfloat16), sut,
                   preferred_element_type=jnp.float32)
    nrun = jnp.sum(uexp, axis=1, keepdims=True)
    crun = jnp.sum(inr * jnp.broadcast_to(rank, (128, E)), axis=1,
                   keepdims=True)
    cmap_ref[...] = jnp.where(used > 0.0, crun,
                              jnp.broadcast_to(nrun, (128, 1)) - 1.0
                              ).astype(jnp.int32)
    rio = lax.broadcasted_iota(jnp.int32, (16, E), 0).astype(jnp.float32)
    rsel = jnp.where((jnp.broadcast_to(rank, (16, E)) == rio)
                     & (jnp.broadcast_to(uexp, (16, E)) > 0.0), 1.0, 0.0)
    rexp_ref[...] = jnp.sum(
        rsel * lax.broadcasted_iota(jnp.int32, (16, E), 1).astype(jnp.float32),
        axis=1, keepdims=True).astype(jnp.int32)


def _route(xs, gate_w, gate_b):
    return pl.pallas_call(
        _route_kernel,
        in_specs=[
            pl.BlockSpec((N, D), lambda: (0, 0)),
            pl.BlockSpec((D, E), lambda: (0, 0)),
            pl.BlockSpec((1, E), lambda: (0, 0)),
        ],
        out_specs=[
            pl.BlockSpec((N, K), lambda: (0, 0)),
            pl.BlockSpec((N, K), lambda: (0, 0)),
            pl.BlockSpec((128, 1), lambda: (0, 0)),
            pl.BlockSpec((16, 1), lambda: (0, 0)),
        ],
        out_shape=[
            jax.ShapeDtypeStruct((N, K), jnp.int32),
            jax.ShapeDtypeStruct((N, K), jnp.float32),
            jax.ShapeDtypeStruct((128, 1), jnp.int32),
            jax.ShapeDtypeStruct((16, 1), jnp.int32),
        ],
    )(xs, gate_w, gate_b.reshape(1, E))


def _sc_mesh():
    return plsc.VectorSubcoreMesh(core_axis_name="c", subcore_axis_name="s")


@jax.jit
def _dispatch(xs, pos_t):
    @functools.partial(
        pl.kernel,
        out_type=jax.ShapeDtypeStruct((NSLOT, D), jnp.float32),
        mesh=_sc_mesh(),
        scratch_types=[
            pltpu.VMEM((TPW,), jnp.int32),
            pltpu.VMEM((TPW,), jnp.int32),
            pltpu.VMEM((TPW, D), jnp.float32),
            pltpu.SemaphoreType.DMA,
        ],
    )
    def k(x_hbm, pos_hbm, xg_hbm, i0_v, i1_v, rows_v, sem):
        wid = lax.axis_index("s") * 2 + lax.axis_index("c")
        base = wid * TPW
        pltpu.sync_copy(pos_hbm.at[0, pl.ds(base, TPW)], i0_v)
        pltpu.sync_copy(pos_hbm.at[1, pl.ds(base, TPW)], i1_v)
        pltpu.async_copy(x_hbm.at[pl.ds(base, TPW)], rows_v, sem).wait()
        pltpu.async_copy(rows_v, xg_hbm.at[i0_v], sem).wait()
        pltpu.async_copy(rows_v, xg_hbm.at[i1_v], sem).wait()

    return k(xs, pos_t)


def _ffn_kernel(cmap_ref, rexp_ref, xg_ref, bg_ref, b1_ref, b2_ref,
                Wg_hbm, W1_hbm, W2_hbm, y_ref, wgb, w1b, w2b, sems):
    b = pl.program_id(0)
    r = cmap_ref[b]
    slot = lax.rem(r, 2)
    prev_r = cmap_ref[jnp.maximum(b - 1, 0)]
    first_of_run = jnp.logical_or(b == 0, r != prev_r)
    nrun = cmap_ref[NB - 1] + 1

    def issue(run, s):
        e = rexp_ref[run]
        pltpu.make_async_copy(Wg_hbm.at[e], wgb.at[s], sems.at[s, 0]).start()
        pltpu.make_async_copy(W1_hbm.at[e], w1b.at[s], sems.at[s, 1]).start()
        pltpu.make_async_copy(W2_hbm.at[e], w2b.at[s], sems.at[s, 2]).start()

    @pl.when(b == 0)
    def _prime():
        issue(0, 0)

    @pl.when(first_of_run)
    def _swap():
        pltpu.make_async_copy(Wg_hbm.at[0], wgb.at[slot], sems.at[slot, 0]).wait()
        pltpu.make_async_copy(W1_hbm.at[0], w1b.at[slot], sems.at[slot, 1]).wait()
        pltpu.make_async_copy(W2_hbm.at[0], w2b.at[slot], sems.at[slot, 2]).wait()

        @pl.when(r + 1 < nrun)
        def _prefetch():
            issue(r + 1, 1 - slot)

    xb16 = xg_ref[...].astype(jnp.bfloat16)

    def compute(s):
        g = jnp.dot(xb16, wgb[s].astype(jnp.bfloat16),
                    preferred_element_type=jnp.float32) + bg_ref[0]
        g = g * lax.logistic(g)
        u = jnp.dot(xb16, w1b[s].astype(jnp.bfloat16),
                    preferred_element_type=jnp.float32) + b1_ref[0]
        hid = (g * u).astype(jnp.bfloat16)
        y_ref[...] = jnp.dot(hid, w2b[s].astype(jnp.bfloat16),
                             preferred_element_type=jnp.float32) + b2_ref[0]

    @pl.when(slot == 0)
    def _s0():
        compute(0)

    @pl.when(slot == 1)
    def _s1():
        compute(1)


def _ffn(cmap, rexp, xg, Wg, bg, W1, b1, W2, b2):
    grid_spec = pltpu.PrefetchScalarGridSpec(
        num_scalar_prefetch=2,
        grid=(NB,),
        in_specs=[
            pl.BlockSpec((BLK, D), lambda b, c, rx: (b, 0)),
            pl.BlockSpec((1, 1, H), lambda b, c, rx: (rx[c[b]], 0, 0)),
            pl.BlockSpec((1, 1, H), lambda b, c, rx: (rx[c[b]], 0, 0)),
            pl.BlockSpec((1, 1, D), lambda b, c, rx: (rx[c[b]], 0, 0)),
            pl.BlockSpec(memory_space=pl.ANY),
            pl.BlockSpec(memory_space=pl.ANY),
            pl.BlockSpec(memory_space=pl.ANY),
        ],
        out_specs=pl.BlockSpec((BLK, D), lambda b, c, rx: (b, 0)),
        scratch_shapes=[
            pltpu.VMEM((2, D, H), jnp.float32),
            pltpu.VMEM((2, D, H), jnp.float32),
            pltpu.VMEM((2, H, D), jnp.float32),
            pltpu.SemaphoreType.DMA((2, 3)),
        ],
    )
    return pl.pallas_call(
        _ffn_kernel,
        grid_spec=grid_spec,
        out_shape=jax.ShapeDtypeStruct((NSLOT, D), jnp.float32),
        compiler_params=pltpu.CompilerParams(
            dimension_semantics=("arbitrary",),
        ),
    )(cmap, rexp, xg, bg.reshape(E, 1, H), b1.reshape(E, 1, H),
      b2.reshape(E, 1, D), Wg, W1, W2)


@jax.jit
def _combine_gather(y, pos_t):
    @functools.partial(
        pl.kernel,
        out_type=[
            jax.ShapeDtypeStruct((N, D), jnp.float32),
            jax.ShapeDtypeStruct((N, D), jnp.float32),
        ],
        mesh=_sc_mesh(),
        scratch_types=[
            pltpu.VMEM((TPW,), jnp.int32),
            pltpu.VMEM((TPW,), jnp.int32),
            pltpu.VMEM((TPW, D), jnp.float32),
            pltpu.VMEM((TPW, D), jnp.float32),
            pltpu.SemaphoreType.DMA,
        ],
    )
    def k(y_hbm, pos_hbm, a_hbm, b_hbm, i0_v, i1_v, a_v, b_v, sem):
        wid = lax.axis_index("s") * 2 + lax.axis_index("c")
        base = wid * TPW
        pltpu.sync_copy(pos_hbm.at[0, pl.ds(base, TPW)], i0_v)
        pltpu.sync_copy(pos_hbm.at[1, pl.ds(base, TPW)], i1_v)
        pltpu.async_copy(y_hbm.at[i0_v], a_v, sem).wait()
        pltpu.async_copy(y_hbm.at[i1_v], b_v, sem).wait()
        pltpu.sync_copy(a_v, a_hbm.at[pl.ds(base, TPW)])
        pltpu.sync_copy(b_v, b_hbm.at[pl.ds(base, TPW)])

    return k(y, pos_t)


def _mix_kernel(w_ref, a_ref, b_ref, out_ref):
    w = w_ref[...]
    out_ref[...] = w[:, 0:1] * a_ref[...] + w[:, 1:2] * b_ref[...]


def _mix(wts, a, b):
    return pl.pallas_call(
        _mix_kernel,
        grid=(N // 512,),
        in_specs=[
            pl.BlockSpec((512, K), lambda i: (i, 0)),
            pl.BlockSpec((512, D), lambda i: (i, 0)),
            pl.BlockSpec((512, D), lambda i: (i, 0)),
        ],
        out_specs=pl.BlockSpec((512, D), lambda i: (i, 0)),
        out_shape=jax.ShapeDtypeStruct((N, D), jnp.float32),
    )(wts, a, b)


def kernel(x, gate_w, gate_b, Wg, bg, W1, b1, W2, b2):
    xs = x.reshape(N, D)
    pos, wts, cmap2d, rexp2d = _route(xs, gate_w, gate_b)
    pos_t = pos.T
    cmap = cmap2d.reshape(128)[:NB]
    rexp = rexp2d.reshape(16)
    xg = _dispatch(xs, pos_t)
    y = _ffn(cmap, rexp, xg, Wg, bg, W1, b1, W2, b2)
    a, b = _combine_gather(y, pos_t)
    out = _mix(wts, a, b)
    return out.reshape(x.shape)

# --- scband reference (transcript-rebuilt; emitter-appended) ---
"""Pipeline reference for scband-mo-efeed-forward-89464168775817 (READ-ONLY COPY).

The authoritative reference and input builder live on the scoring server;
editing this copy changes nothing except your own understanding.
"""

import jax, jax.numpy as jnp
import numpy as np

E = 8
K = 2
D = 768
H = 2048  # GatedLinearUnitFeedForward.adjust_hidden_dim(4*768) = ((int(3072*2/3)+7)//8)*8 = 2048
B = 1
S = 2048


def setup_inputs(seed: int = 0) -> dict:
    key = jax.random.key(seed)
    ks = jax.random.split(key, 9)
    s = 0.02
    x = jax.random.normal(ks[0], (B, S, D), dtype=jnp.float32)
    gate_w = jax.random.normal(ks[1], (D, E), dtype=jnp.float32) * s
    gate_b = jnp.zeros((E,), dtype=jnp.float32)
    Wg = jax.random.normal(ks[2], (E, D, H), dtype=jnp.float32) * s
    bg = jnp.zeros((E, H), dtype=jnp.float32)
    W1 = jax.random.normal(ks[3], (E, D, H), dtype=jnp.float32) * s
    b1 = jnp.zeros((E, H), dtype=jnp.float32)
    W2 = jax.random.normal(ks[4], (E, H, D), dtype=jnp.float32) * s
    b2 = jnp.zeros((E, D), dtype=jnp.float32)
    return {"x": x, "gate_w": gate_w, "gate_b": gate_b, "Wg": Wg, "bg": bg, "W1": W1, "b1": b1, "W2": W2, "b2": b2}


def reference(x, gate_w, gate_b, Wg, bg, W1, b1, W2, b2):
    # Flatten tokens: x_squashed = x.view(-1, in_dim)
    xs = x.reshape(-1, x.shape[-1])
    N = xs.shape[0]
    # Gate (dropout in eval mode -> identity)
    gate_logits = xs @ gate_w + gate_b
    topk_logits, selected_experts = jax.lax.top_k(gate_logits, K)
    weights = jax.nn.softmax(topk_logits, axis=-1)
    # Dense per-(token, expert) weight matrix; zero for unselected experts.
    Wmat = jnp.zeros((N, E), dtype=xs.dtype).at[jnp.arange(N)[:, None], selected_experts].add(weights)
    # GatedLinearUnitFeedForward per expert: fc2(silu(fc_gate(x)) * fc1(x))
    g = jax.nn.silu(jnp.einsum('nd,edh->enh', xs, Wg) + bg[:, None, :])
    u = jnp.einsum('nd,edh->enh', xs, W1) + b1[:, None, :]
    hid = g * u
    outs = jnp.einsum('enh,ehd->end', hid, W2) + b2[:, None, :]
    # Weighted sum over experts (weight is 0 for unselected -> same math as torch loop)
    results = jnp.einsum('ne,end->nd', Wmat, outs)
    return results.reshape(x.shape)

if __name__ == "__main__":
    import jax
    _d = setup_inputs()
    print(jax.jit(kernel)(*tuple(_d.values())))

</pallas_src>

<mosaic_0001>
#map = affine_map<(d0, d1) -> (0, 0)>
module attributes {stable_mosaic.version = 14 : i64} {
  func.func @k(%arg0: i32, %arg1: i32, %arg2: memref<2048x768xf32, #tpu.memory_space<hbm>>, %arg3: memref<2x2048xi32, #tpu.memory_space<hbm>>, %arg4: memref<6144x768xf32, #tpu.memory_space<hbm>>, %arg5: memref<64xi32, #tpu.memory_space<vmem>>, %arg6: memref<64xi32, #tpu.memory_space<vmem>>, %arg7: memref<64x768xf32, #tpu.memory_space<vmem>>, %arg8: memref<!tpu.dma_semaphore, #tpu.memory_space<semaphore_mem>>) attributes {dimension_semantics = [#tpu.dimension_semantics<core_parallel>, #tpu.dimension_semantics<subcore_parallel>], iteration_bounds = array<i64: 2, 16>, scalar_prefetch = 0 : i64, scratch_operands = 4 : i64, tpu.core_type = #tpu.core_type<sc_vector_subcore>, window_params = [{transform_indices = #map}, {transform_indices = #map}, {transform_indices = #map}]} {
    %mul3A = arith.constant 2 : i32
    %mul3A_0 = arith.muli %arg1, %mul3A : i32
    %add3A = arith.addi %mul3A_0, %arg0 : i32
    %mul3A_1 = arith.constant 64 : i32
    %mul3A_2 = arith.muli %add3A, %mul3A_1 : i32
    %run_scoped3A = arith.constant 0 : i32
    "tpu.region"() ({
      %run_scoped3A_22 = tpu.sem_alloc : memref<!tpu.dma_semaphore, #tpu.memory_space<semaphore_mem>>
      %dma_start3A_23 = tpu.memref_slice %arg3[%run_scoped3A, %mul3A_2] : memref<2x2048xi32, #tpu.memory_space<hbm>> -> memref<1x64xi32, #tpu.memory_space<hbm>>
      %dma_start3A_24 = tpu.memref_squeeze %dma_start3A_23 : memref<1x64xi32, #tpu.memory_space<hbm>> -> memref<64xi32, #tpu.memory_space<hbm>>
      %dma_start3A_25 = tpu.memref_slice %arg3[%run_scoped3A, %mul3A_2] : memref<2x2048xi32, #tpu.memory_space<hbm>> -> memref<1x64xi32, #tpu.memory_space<hbm>>
      %dma_start3A_26 = tpu.memref_squeeze %dma_start3A_25 : memref<1x64xi32, #tpu.memory_space<hbm>> -> memref<64xi32, #tpu.memory_space<hbm>>
      tpu.enqueue_dma source(%dma_start3A_26 : memref<64xi32, #tpu.memory_space<hbm>>) target(%arg5 : memref<64xi32, #tpu.memory_space<vmem>>) target_semaphore(%run_scoped3A_22 : memref<!tpu.dma_semaphore, #tpu.memory_space<semaphore_mem>>)
      %dma_wait3A_27 = tpu.memref_slice %arg3[%run_scoped3A, %mul3A_2] : memref<2x2048xi32, #tpu.memory_space<hbm>> -> memref<1x64xi32, #tpu.memory_space<hbm>>
      %dma_wait3A_28 = tpu.memref_squeeze %dma_wait3A_27 : memref<1x64xi32, #tpu.memory_space<hbm>> -> memref<64xi32, #tpu.memory_space<hbm>>
      %dma_wait3A_29 = tpu.memref_slice %arg3[%run_scoped3A, %mul3A_2] : memref<2x2048xi32, #tpu.memory_space<hbm>> -> memref<1x64xi32, #tpu.memory_space<hbm>>
      %dma_wait3A_30 = tpu.memref_squeeze %dma_wait3A_29 : memref<1x64xi32, #tpu.memory_space<hbm>> -> memref<64xi32, #tpu.memory_space<hbm>>
      tpu.wait_dma2 semaphore(%run_scoped3A_22 : memref<!tpu.dma_semaphore, #tpu.memory_space<semaphore_mem>>) src(%dma_wait3A_30 : memref<64xi32, #tpu.memory_space<hbm>>) dst(%arg5 : memref<64xi32, #tpu.memory_space<vmem>>)
      tpu.yield
    }) : () -> ()
    %run_scoped3A_3 = arith.constant 1 : i32
    "tpu.region"() ({
      %run_scoped3A_22 = tpu.sem_alloc : memref<!tpu.dma_semaphore, #tpu.memory_space<semaphore_mem>>
      %dma_start3A_23 = tpu.memref_slice %arg3[%run_scoped3A_3, %mul3A_2] : memref<2x2048xi32, #tpu.memory_space<hbm>> -> memref<1x64xi32, #tpu.memory_space<hbm>>
      %dma_start3A_24 = tpu.memref_squeeze %dma_start3A_23 : memref<1x64xi32, #tpu.memory_space<hbm>> -> memref<64xi32, #tpu.memory_space<hbm>>
      %dma_start3A_25 = tpu.memref_slice %arg3[%run_scoped3A_3, %mul3A_2] : memref<2x2048xi32, #tpu.memory_space<hbm>> -> memref<1x64xi32, #tpu.memory_space<hbm>>
      %dma_start3A_26 = tpu.memref_squeeze %dma_start3A_25 : memref<1x64xi32, #tpu.memory_space<hbm>> -> memref<64xi32, #tpu.memory_space<hbm>>
      tpu.enqueue_dma source(%dma_start3A_26 : memref<64xi32, #tpu.memory_space<hbm>>) target(%arg6 : memref<64xi32, #tpu.memory_space<vmem>>) target_semaphore(%run_scoped3A_22 : memref<!tpu.dma_semaphore, #tpu.memory_space<semaphore_mem>>)
      %dma_wait3A_27 = tpu.memref_slice %arg3[%run_scoped3A_3, %mul3A_2] : memref<2x2048xi32, #tpu.memory_space<hbm>> -> memref<1x64xi32, #tpu.memory_space<hbm>>
      %dma_wait3A_28 = tpu.memref_squeeze %dma_wait3A_27 : memref<1x64xi32, #tpu.memory_space<hbm>> -> memref<64xi32, #tpu.memory_space<hbm>>
      %dma_wait3A_29 = tpu.memref_slice %arg3[%run_scoped3A_3, %mul3A_2] : memref<2x2048xi32, #tpu.memory_space<hbm>> -> memref<1x64xi32, #tpu.memory_space<hbm>>
      %dma_wait3A_30 = tpu.memref_squeeze %dma_wait3A_29 : memref<1x64xi32, #tpu.memory_space<hbm>> -> memref<64xi32, #tpu.memory_space<hbm>>
      tpu.wait_dma2 semaphore(%run_scoped3A_22 : memref<!tpu.dma_semaphore, #tpu.memory_space<semaphore_mem>>) src(%dma_wait3A_30 : memref<64xi32, #tpu.memory_space<hbm>>) dst(%arg6 : memref<64xi32, #tpu.memory_space<vmem>>)
      tpu.yield
    }) : () -> ()
    %dma_start3A = arith.constant 0 : i32
    %dma_start3A_4 = tpu.memref_slice %arg2[%mul3A_2, %dma_start3A] : memref<2048x768xf32, #tpu.memory_space<hbm>> -> memref<64x768xf32, #tpu.memory_space<hbm>>
    %dma_start3A_5 = arith.constant 0 : i32
    %dma_start3A_6 = tpu.memref_slice %arg2[%mul3A_2, %dma_start3A_5] : memref<2048x768xf32, #tpu.memory_space<hbm>> -> memref<64x768xf32, #tpu.memory_space<hbm>>
    tpu.enqueue_dma source(%dma_start3A_6 : memref<64x768xf32, #tpu.memory_space<hbm>>) target(%arg7 : memref<64x768xf32, #tpu.memory_space<vmem>>) target_semaphore(%arg8 : memref<!tpu.dma_semaphore, #tpu.memory_space<semaphore_mem>>)
    %dma_wait3A = arith.constant 0 : i32
    %dma_wait3A_7 = tpu.memref_slice %arg2[%mul3A_2, %dma_wait3A] : memref<2048x768xf32, #tpu.memory_space<hbm>> -> memref<64x768xf32, #tpu.memory_space<hbm>>
    %dma_wait3A_8 = arith.constant 0 : i32
    %dma_wait3A_9 = tpu.memref_slice %arg2[%mul3A_2, %dma_wait3A_8] : memref<2048x768xf32, #tpu.memory_space<hbm>> -> memref<64x768xf32, #tpu.memory_space<hbm>>
    tpu.wait_dma2 semaphore(%arg8 : memref<!tpu.dma_semaphore, #tpu.memory_space<semaphore_mem>>) src(%dma_wait3A_9 : memref<64x768xf32, #tpu.memory_space<hbm>>) dst(%arg7 : memref<64x768xf32, #tpu.memory_space<vmem>>)
    %dma_start3A_10 = arith.constant 0 : i32
    %dma_start3A_11 = arith.constant 0 : i32
    %dma_start3A_12 = tpu.memref_slice %arg4[%dma_start3A_10, %dma_start3A_11] : memref<6144x768xf32, #tpu.memory_space<hbm>> -> memref<6144x768xf32, #tpu.memory_space<hbm>>
    tpu.enqueue_indirect_dma source(%arg7 : memref<64x768xf32, #tpu.memory_space<vmem>>) target(%dma_start3A_12 : memref<6144x768xf32, #tpu.memory_space<hbm>>) offsets(%arg5 : memref<64xi32, #tpu.memory_space<vmem>>) semaphore(%arg8 : memref<!tpu.dma_semaphore, #tpu.memory_space<semaphore_mem>>)
    %dma_wait3A_13 = arith.constant 0 : i32
    %dma_wait3A_14 = arith.constant 0 : i32
    %dma_wait3A_15 = tpu.memref_slice %arg4[%dma_wait3A_13, %dma_wait3A_14] : memref<6144x768xf32, #tpu.memory_space<hbm>> -> memref<6144x768xf32, #tpu.memory_space<hbm>>
    tpu.wait_indirect_dma semaphore(%arg8 : memref<!tpu.dma_semaphore, #tpu.memory_space<semaphore_mem>>) src(%arg7 : memref<64x768xf32, #tpu.memory_space<vmem>>) dst(%dma_wait3A_15 : memref<6144x768xf32, #tpu.memory_space<hbm>>)
    %dma_start3A_16 = arith.constant 0 : i32
    %dma_start3A_17 = arith.constant 0 : i32
    %dma_start3A_18 = tpu.memref_slice %arg4[%dma_start3A_16, %dma_start3A_17] : memref<6144x768xf32, #tpu.memory_space<hbm>> -> memref<6144x768xf32, #tpu.memory_space<hbm>>
    tpu.enqueue_indirect_dma source(%arg7 : memref<64x768xf32, #tpu.memory_space<vmem>>) target(%dma_start3A_18 : memref<6144x768xf32, #tpu.memory_space<hbm>>) offsets(%arg6 : memref<64xi32, #tpu.memory_space<vmem>>) semaphore(%arg8 : memref<!tpu.dma_semaphore, #tpu.memory_space<semaphore_mem>>)
    %dma_wait3A_19 = arith.constant 0 : i32
    %dma_wait3A_20 = arith.constant 0 : i32
    %dma_wait3A_21 = tpu.memref_slice %arg4[%dma_wait3A_19, %dma_wait3A_20] : memref<6144x768xf32, #tpu.memory_space<hbm>> -> memref<6144x768xf32, #tpu.memory_space<hbm>>
    tpu.wait_indirect_dma semaphore(%arg8 : memref<!tpu.dma_semaphore, #tpu.memory_space<semaphore_mem>>) src(%arg7 : memref<64x768xf32, #tpu.memory_space<vmem>>) dst(%dma_wait3A_21 : memref<6144x768xf32, #tpu.memory_space<hbm>>)
    return
  }
}

</mosaic_0001>

<sc_bundles>
// kernel: _dispatch.3.cloned.1.call-start
scs
__scs_entry_jumppad:
0x0: {  	(pc) =	sbr.rel $0x88, $3  }
0x1: {  	(tag) =	ssettag $0x0;
	lr =	simm.s32 $0x1  }
0x2: {  	[smem:$0x3F9F] =	sst lr;
	_ =	strace $0xD0000000  }
0x3: {  	_ = 	snop  }
0x4: {  	_ = 	snop  }
0x5: {  	_ = 	snop  }
0x6: {  	_ = 	snop  }
0x7: {  	_ = 	snop  }
__scs_overlays_trampoline_lowered:
0x8: {  	[smem:$0x3FAE] =	sst s0  }
0x9: {  	[smem:$0x3FAF] =	sst s1  }
0xa: {  	[smem:$0x3FB0] =	sst s2  }
0xb: {  	[smem:$0x3FB1] =	sst s3  }
0xc: {  	[smem:$0x3FB2] =	sst s4  }
0xd: {  	[smem:$0x3FB3] =	sst s5  }
0xe: {  	[smem:$0x3FB4] =	sst s6  }
0xf: {  	[smem:$0x3FB5] =	sst s7  }
0x10: {  	[smem:$0x3FB6] =	sst s8  }
0x11: {  	[smem:$0x3FB7] =	sst s9;
	s0 =	simm.s32 @!p0 $0x0  }
0x12: {  	s1 =	sld [smem:$0x3F9D];
	s0 =	simm.s32 @p0 $0x1  }
0x13: {  	[smem:$0x3FB8] =	sst s0;
	s0 =	simm.s32 @!p1 $0x0  }
0x14: {  	s2 =	sld [smem:$0x3F9C];
	s0 =	simm.s32 @p1 $0x1  }
0x15: {  	[smem:$0x3FB9] =	sst s0;
	s0 =	simm.s32 @!p2 $0x0  }
0x16: {  	s3 =	sld [smem:$0x3FDB];
	s0 =	simm.s32 @p2 $0x1  }
0x17: {  	s4 =	simm.s32 $0x1BF5;
	[smem:$0x3FBB] =	sst s0  }
0x18: {  	s0 =	sld [smem:$0x3F9E];
	_ =	swait.ge [sflag:s4], $0x0  }
0x19: {  	s7 =	sld [smem:$0x3F9F]  }
0x1a: {  	s8 =	sadd.s32 $0xFFFFE003, lr  }
0x1b: {  	s9 =	sadd.s32 $0xFFFFFEF7, lr;
	s5 =	simm.s32 $0xFFFFFFFF;
	p2 =	slt.u32 s8, $0xFFFFF086  }
0x1c: {  	p1 =	slt.u32 s9, $0xF7A;
	s5 =	simm.s32 @!p2 $0x0  }
0x1d: {  	s5 =	simm.s32 @p1 $0x1;
	p0 =	seq.s32 s7, s2  }
0x1e: {  	s7 =	smul.u32 @!p0 $0xF7A, s2;
	p2 =	seq.s32 @!p0 s5, $0x0  }
0x1f: {  	s9 =	smul.u32 $0xF7A, s1;
	s8 =	simm.s32 @!p0 $0x1BF5;
	p2 =	por !p2, p0  }
0x20: {  	[sflag:s8] =	ssyncset.s32 @!p0 $0xFFFFF086;
	s6 =	sadd.s32 @!p0 s3, s7;
	s7 =	simm.s32 @!p0 $0x108  }
0x21: {  	s3 =	sadd.s32 s3, s9;
	s6 =	sadd.s32 @!p0 $0x88, s6;
	s7 =	simm.s32 @p2 $0x1082  }
0x22: {  	[simem:s7], [sflag:s8] =	dma.local @!p0 [hbm:s6], $0xF7A  }
0x23: {  	s9 =	sor.u32 $0xD0000000, s2;
	s6 =	simm.s32 $0x108;
	_ =	swait.ge @!p0 [sflag:s8], $0x0  }
0x24: {  	s3 =	sadd.s32 $0x88, s3;
	s6 =	simm.s32 @!p1 $0x1082;
	[sflag:s4] =	ssyncset.s32 $0xFFFFF086  }
0x25: {  	[simem:s6], [sflag:s4] =	dma.local [hbm:s3], $0xF7A  }
0x26: {  	[smem:$0x3F9F] =	sst s1;
	(tag) =	ssettag s2;
	_ =	strace s9  }
0x27: {  	s1 =	sld [smem:$0x3FAF]  }
0x28: {  	s2 =	sld [smem:$0x3FB0]  }
0x29: {  	s4 =	sld [smem:$0x3FB2]  }
0x2a: {  	p0 =	seq.s32 s5, $0x0;
	s5 =	sld [smem:$0x3FB3]  }
0x2b: {  	s6 =	sld [smem:$0x3FB4]  }
0x2c: {  	s7 =	sld [smem:$0x3FB5]  }
0x2d: {  	s3 =	simm.s32 $0x108;
	s8 =	sld [smem:$0x3FB6]  }
0x2e: {  	s3 =	simm.s32 @!p0 $0x1082;
	s9 =	sld [smem:$0x3FB7]  }
0x2f: {  	lr =	sadd.s32 s0, s3;
	s0 =	sld [smem:$0x3FAE]  }
0x30: {  	s3 =	sld [smem:$0x3FB1]  }
0x31: {  	[smem:$0x3FBA] =	sst s10  }
0x32: {  	s10 =	sld [smem:$0x3FB8];
	_ =	sdelay $0x3  }
0x33: {  	p0 =	seq.s32 s10, $0x1;
	s10 =	sld [smem:$0x3FBA];
	_ =	sdelay $0x3  }
0x34: {  	[smem:$0x3FBA] =	sst s10  }
0x35: {  	s10 =	sld [smem:$0x3FB9];
	_ =	sdelay $0x3  }
0x36: {  	p1 =	seq.s32 s10, $0x1;
	s10 =	sld [smem:$0x3FBA];
	_ =	sdelay $0x3  }
0x37: {  	[smem:$0x3FBA] =	sst s10  }
0x38: {  	s10 =	sld [smem:$0x3FBB]  }
0x39: {  	_ = 	snop;
	(pc) =	sbr.ind lr, $3  }
0x3a: {  	_ = 	snop  }
0x3b: {  	_ = 	snop  }
0x3c: {  	p2 =	seq.s32 s10, $0x1;
	s10 =	sld [smem:$0x3FBA]  }
0x3d: {  	_ =	shalt  }
0x3e: {  	_ =	shalt  }
0x3f: {  	_ =	shalt  }
0x40: {  	_ =	shalt  }
0x41: {  	_ =	shalt  }
0x42: {  	_ =	shalt  }
0x43: {  	_ =	shalt  }
0x44: {  	_ =	shalt  }
0x45: {  	_ =	shalt  }
0x46: {  	_ =	shalt  }
0x47: {  	_ =	shalt  }
0x48: {  	_ =	shalt  }
0x49: {  	_ =	shalt  }
0x4a: {  	_ =	shalt  }
0x4b: {  	_ =	shalt  }
0x4c: {  	_ =	shalt  }
0x4d: {  	_ =	shalt  }
0x4e: {  	_ =	shalt  }
0x4f: {  	_ =	shalt  }
0x50: {  	_ =	shalt  }
0x51: {  	_ =	shalt  }
0x52: {  	_ =	shalt  }
0x53: {  	_ =	shalt  }
0x54: {  	_ =	shalt  }
0x55: {  	_ =	shalt  }
0x56: {  	_ =	shalt  }
0x57: {  	_ =	shalt  }
0x58: {  	_ =	shalt  }
0x59: {  	_ =	shalt  }
0x5a: {  	_ =	shalt  }
0x5b: {  	_ =	shalt  }
0x5c: {  	_ =	shalt  }
0x5d: {  	_ =	shalt  }
0x5e: {  	_ =	shalt  }
0x5f: {  	_ =	shalt  }
0x60: {  	_ =	shalt  }
0x61: {  	_ =	shalt  }
0x62: {  	_ =	shalt  }
0x63: {  	_ =	shalt  }
0x64: {  	_ =	shalt  }
0x65: {  	_ =	shalt  }
0x66: {  	_ =	shalt  }
0x67: {  	_ =	shalt  }
0x68: {  	_ =	shalt  }
0x69: {  	_ =	shalt  }
0x6a: {  	_ =	shalt  }
0x6b: {  	_ =	shalt  }
0x6c: {  	_ =	shalt  }
0x6d: {  	_ =	shalt  }
0x6e: {  	_ =	shalt  }
0x6f: {  	_ =	shalt  }
0x70: {  	_ =	shalt  }
0x71: {  	_ =	shalt  }
0x72: {  	_ =	shalt  }
0x73: {  	_ =	shalt  }
0x74: {  	_ =	shalt  }
0x75: {  	_ =	shalt  }
0x76: {  	_ =	shalt  }
0x77: {  	_ =	shalt  }
0x78: {  	_ =	shalt  }
0x79: {  	_ =	shalt  }
0x7a: {  	_ =	shalt  }
0x7b: {  	_ =	shalt  }
0x7c: {  	_ =	shalt  }
0x7d: {  	_ =	shalt  }
0x7e: {  	_ =	shalt  }
0x7f: {  	_ =	shalt  }
0x80: {  	_ =	shalt  }
0x81: {  	_ =	shalt  }
0x82: {  	_ =	shalt  }
0x83: {  	_ =	shalt  }
0x84: {  	_ =	shalt  }
0x85: {  	_ =	shalt  }
0x86: {  	_ =	shalt  }
0x87: {  	_ =	shalt  }
.Lfunc_end0:
.L_simem_size_0:
called_computation_lowered:
.L_overlay_start_0:
0x88: {  	s2 =	sld [smem:$0x3FD9]  }
0x89: {  	s3 =	sld [smem:$0x3FFE];
	_ =	sdelay $0x1  }
0x8a: {  	s1 =	srdreg.scid  }
0x8b: {  	s0 =	sand.u32 $0x1, s1  }
0x8c: {  	s18 =	sshll.u32 s0, $0xA;
	s2 =	sadd.s32 s3, s2  }
0x8d: {  	s2 =	sadd.s32 s2, s18  }
0x8e: {  	[smem:$0x3FC6] =	sst s2  }
0x8f: {  	_ = 	snop  }
0x90: {  	s2 =	sld [smem:$0x3FC9]  }
0x91: {  	s19 =	sld [smem:$0x3FC8]  }
0x92: {  	s4 =	sld [smem:$0x3FD0];
	(tm) =	ssettm $0x1  }
0x93: {  	s5 =	sld [smem:$0x3FFB];
	_ =	sdelay $0x3  }
0x94: {  	_ =	strace s5  }
0x95: {  	s5 =	sld [smem:$0x3FFC];
	_ =	sdelay $0x3  }
0x96: {  	_ =	strace s5  }
0x97: {  	s5 =	sld [smem:$0x3FFD];
	_ =	sdelay $0x3  }
0x98: {  	_ =	strace s5  }
0x99: {  	_ =	strace $0x8FFFFFFF  }
0x9a: {  	s20 =	sld [smem:$0x3FDB];
	_ =	sdelay $0x1  }
0x9b: {  	s6 =	simm.s32 $_scs_section_size  }
0x9c: {  	s7 =	simm.s32 $_size__tile_overlayer_lowered;
	s8 =	simm.s32 $_tile_overlayer_lowered  }
0x9d: {  	s23 =	simm.s32 $0x1BFF;
	s22 =	sshll.u32 s8, $0x1;
	s5 =	sadd.s32 s6, s20  }
0x9e: {  	s9 =	simm.s32 $0x0;
	s21 =	sshll.u32 s7, $0x1;
	s7 =	sadd.s32 s22, s5  }
0x9f: {  	[timem:s9], [sflag:s23] =	dma.local [hbm:s7], s21  }
0xa0: {  	_ =	swait.ge [sflag:s23], s21  }
0xa1: {  	s6 =	ssub.s32 $0x0, s21;
	[sflag:s23] =	ssyncset.done $0x0  }
0xa2: {  	[sflag:s23] =	ssyncadd.s32 s6;
	_ =	sdelay $0x1  }
0xa3: {  	s24 =	simm.s32 $0x1B8B  }
0xa4: {  	_ =	swait.ge [sflag:s24], $0x1  }
0xa5: {  	[sflag:s24] =	ssyncset.done $0x0  }
0xa6: {  	s25 =	simm.s32 $0x1B8E;
	[sflag:s24] =	ssyncadd.s32 $0xFFFFFFFF  }
0xa7: {  	s26 =	simm.s32 $execute0_lowered;
	[smem:$0x3FD2] =	sst s25  }
0xa8: {  	s6 =	sshll.u32 s26, $0x1;
	_ =	strace $0x80000046;
	[dreg:$0x1] =	wrdreg $0xFFFFFFFF  }
0xa9: {  	s28 =	simm.s32 $_size_execute0_lowered;
	s5 =	sadd.s32 s5, s6;
	[dreg:$0x0] =	wrdreg $0x0  }
0xaa: {  	s6 =	sshll.u32 s28, $0x1;
	[dreg:$0x2] =	wrdreg s5  }
0xab: {  	[dreg:$0x3] =	wrdreg s6  }
0xac: {  	[dreg:$0x4] =	wrdreg $0xC0  }
0xad: {  	_ =	task [dreg:s9], $0x5FFFF  }
0xae: {  	[dreg:$0x1] =	wrdreg $0xFFFFFFFF  }
0xaf: {  	[dreg:$0x0] =	wrdreg $0x60  }
0xb0: {  	[dreg:$0x2] =	wrdreg s2  }
0xb1: {  	[dreg:$0x3] =	wrdreg s19  }
0xb2: {  	[dreg:$0x4] =	wrdreg s4  }
0xb3: {  	[dreg:$0x5] =	wrdreg $0x9  }
0xb4: {  	_ =	task.clear_ibuf [dreg:s9], $0x6FFFF;
	_ =	strace $0x90000046  }
0xb5: {  	s29 =	simm.s32 $0x9;
	_ =	strace $0x80000048  }
0xb6: {  	_ =	swait.ge [sflag:s29], $0x1  }
0xb7: {  	[sflag:s29] =	ssyncadd.s32 $0xFFFFFFFF  }
0xb8: {  	_ =	strace $0x90000048  }
0xb9: {  	_ =	sfence  }
0xba: {  	s30 =	sld [smem:$0x0];
	_ =	sdelay $0x2  }
0xbb: {  	s31 =	sshll.u32 s1, $0xD;
	s1 =	sshrl.u32 s1, $0x2  }
0xbc: {  	s3 =	sand.u32 $0x4000, s31;
	s1 =	sadd.s32 s1, s30  }
0xbd: {  	s0 =	sor.u32 s3, s0;
	s1 =	sshll.u32 s1, $0x11  }
0xbe: {  	s0 =	sor.u32 s1, s0  }
0xbf: {  	s0 =	sadd.s32 $0x8F2B, s0  }
0xc0: {  	[sflag:s0] =	ssyncadd.remote.s32 $0x1  }
0xc1: {  	_ =	sfence.sel $0xFFFF  }
0xc2: {  	[dreg:$0x0] =	wrdreg $0xFFFFFFFF;
	(pc) =	sbr.abs _section_cstart, $3  }
0xc3: {  	[dreg:$0x1] =	wrdreg $0xFFFFFFFF  }
0xc4: {  	_ =	task.clear_ibuf [dreg:s9], $0x2FFFF;
	_ =	strace $0x9FFFFFFF  }
0xc5: {  	(tm) =	ssettm $0x7FFFFFFF  }
tec
execute0_lowered:
.L_overlay_start_1:
0x0: {  	(tag) =	ssettag $0x1  }
0x1: {  	s0 =	srdreg.scid;
	s1 =	rddreg [dreg:$0x0]  }
0x2: {  	s2 =	stileid.u32;
	s4 =	rddreg [dreg:$0x1];
	s26 =	simm.s32 $0x80  }
0x3: {  	s9 =	simm.s32 $0x1;
	s12 =	simm.s32 $0x1900;
	s13 =	simm.s32 $0x2100  }
0x4: {  	s14 =	simm.s32 $0x2900;
	s15 =	simm.s32 $0x3100;
	s16 =	simm.s32 $0x3900  }
0x5: {  	s17 =	simm.s32 $0x4100;
	s18 =	simm.s32 $0x4900;
	s19 =	simm.s32 $0x5100  }
0x6: {  	s20 =	simm.s32 $0x5900;
	s21 =	simm.s32 $0x6100;
	s22 =	simm.s32 $0x6900  }
0x7: {  	s23 =	simm.s32 $0x7100;
	s28 =	simm.s32 $0x9100;
	s29 =	simm.s32 $0x9900  }
0x8: {  	s30 =	simm.s32 $0xA100;
	s31 =	simm.s32 $0xA900;
	s0 =	sand.u32 $0x1, s0  }
0x9: {  	s3 =	sshll.u32 s2, $0x7;
	s2 =	rddreg [dreg:$0x2];
	s5 =	sshll.u32 s0, $0x6  }
0xa: {  	s0 =	ssub.s32 $0x2, s0;
	s6 =	sor.u32 s5, s3;
	s3 =	simm.s32 $0x0  }
0xb: {  	s25 =	sshrl.u32 s0, $0x1;
	s7 =	sshll.u32 s6, $0x1;
	[smem:$0x7FF] =	sst s3  }
0xc: {  	s6 =	sshrl.u32 s6, $0x3;
	s0 =	ssub.s32 s0, s25;
	s25 =	simm.s32 $0x8100  }
0xd: {  	s8 =	sand.u32 $0xF00, s7;
	_ =	strace $0x80000047;
	s6 =	smul.u32 $0x300, s6  }
0xe: {  	[dreg:$0x7] =	wrdreg s26;
	s8 =	sor.u32 s5, s8;
	s5 =	sor.u32 s5, s7  }
0xf: {  	s26 =	simm.s32 $0x8900;
	s24 =	sshrl.u32 s8, $0x3;
	s5 =	sshrl.u32 s5, $0x3  }
0x10: {  	s1 =	sadd.s32 s1, s6;
	s6 =	smax.u32 s0, $0x1;
	s8 =	simm.s32 $0x100  }
0x11: {  	s0 =	simm.s32 $0xB900;
	s7 =	sadd.s32 s4, s24;
	s5 =	sor.u32 $0x10, s5  }
0x12: {  	v2 =	vlaneseq.u32;
	[dreg:$0x6] =	wrdreg s1;
	s24 =	simm.s32 $0x7900;
	s1 =	simm.s32 $0xB100  }
0x13: {  	vm0 =	vmmov $0xffff;
	v1 =	vshrl.u32 v2, $0x3;
	[dreg:$0x4] =	wrdreg s7;
	s4 =	sadd.s32 s4, s5;
	s5 =	sadd.s32 $0x200, s2  }
0x14: {  	v0 =	vand.u32 $0x7, v2;
	v2 =	vor.u32 $0x8, v2;
	v1 =	vmul.u32 $0x8, v1;
	s7 =	simm.s32 $0x2;
	[dreg:$0x5] =	wrdreg s4;
	s4 =	sadd.s32 $0x100, s2  }
.LBB2_1:
0x15: {  	s10 =	rddreg [dreg:$0x4]  }
0x16: {  	[tilespmem:s3], [sflag:$0x2] =	stream.linear.gather [hbm4b:s10+s3], $0x40, $0x38;
	[tilespmem:$0xC100] =	vst v63  }
0x17: {  	_ =	swait.ge [sflag:s7], $0x40  }
0x18: {  	s10 =	rddreg [dreg:$0x5];
	[sflag:s7] =	ssyncset.done $0x0  }
0x19: {  	s11 =	rddreg [dreg:$0x7];
	[sflag:s7] =	ssyncadd.s32 $0xFFFFFFC0  }
0x1a: {  	[tilespmem:s11], [sflag:$0x2] =	stream.linear.gather [hbm4b:s10+s3], $0x40, $0x38;
	[tilespmem:$0xC100] =	vst v63  }
0x1b: {  	_ =	swait.ge [sflag:s7], $0x40  }
0x1c: {  	[sflag:s7] =	ssyncset.done $0x0  }
0x1d: {  	s11 =	rddreg [dreg:$0x6];
	[sflag:s7] =	ssyncadd.s32 $0xFFFFFFC0  }
0x1e: {  	[tilespmem:s8], [sflag:$0x1] =	stream.linear.gather [hbm4b:s11+s3], $0xC000, $0x38;
	[tilespmem:$0xC100] =	vst v63  }
0x1f: {  	_ =	swait.ge [sflag:s9], $0xC000  }
0x20: {  	[sflag:s9] =	ssyncset.done $0x0  }
0x21: {  	[sflag:s9] =	ssyncadd.s32 $0xFFFF4000  }
0x22: {  	v3 =	vld [tilespmem:$0x0];
	_ =	sdelay $0x4  }
0x23: {  	v4 =	vshrl.u32 v3, $0x3  }
0x24: {  	v4 =	vmul.u32 $0x30, v4  }
0x25: {  	v3 =	vand.u32 $0x7, v3  }
0x26: {  	v3 =	vor.u32 v3, v4  }
0x27: {  	v4 =	vperm.xlane v3, v0;
	_ =	sdelay $0x1  }
0x28: {  	v4 =	vadd.s32 v1, v4;
	_ =	sdelay $0x3  }
0x29: {  	v3 =	vperm.xlane v3, v2  }
0x2a: {  	[hbm4b:s2+s3] =	stream.indirect_vreg.scatter [tilespmem:s8], [sflag:$0x1], $0x80, v4, vm0, $0xb8;
	[tilespmem:$0xC100] =	vst v63  }
0x2b: {  	s10 =	simm.s32 $0x900;
	v3 =	vadd.s32 v1, v3  }
0x2c: {  	[hbm4b:s4+s3] =	stream.indirect_vreg.scatter [tilespmem:s10], [sflag:$0x1], $0x80, v4, vm0, $0xb8;
	[tilespmem:$0xC100] =	vst v63  }
0x2d: {  	s11 =	simm.s32 $0x1100  }
0x2e: {  	[hbm4b:s5+s3] =	stream.indirect_vreg.scatter [tilespmem:s11], [sflag:$0x1], $0x80, v4, vm0, $0xb8;
	[tilespmem:$0xC100] =	vst v63  }
0x2f: {  	_ = 	snop  }
0x30: {  	[hbm4b:s2+s3] =	stream.indirect_vreg.scatter [tilespmem:s12], [sflag:$0x1], $0x80, v3, vm0, $0xb8;
	[tilespmem:$0xC100] =	vst v63  }
0x31: {  	_ = 	snop  }
0x32: {  	[hbm4b:s4+s3] =	stream.indirect_vreg.scatter [tilespmem:s13], [sflag:$0x1], $0x80, v3, vm0, $0xb8;
	[tilespmem:$0xC100] =	vst v63  }
0x33: {  	_ = 	snop  }
0x34: {  	[hbm4b:s5+s3] =	stream.indirect_vreg.scatter [tilespmem:s14], [sflag:$0x1], $0x80, v3, vm0, $0xb8;
	[tilespmem:$0xC100] =	vst v63  }
0x35: {  	v3 =	vld [tilespmem:$0x10];
	_ =	sdelay $0x4  }
0x36: {  	v57 =	vshrl.u32 v3, $0x3  }
0x37: {  	v4 =	vmul.u32 $0x30, v57  }
0x38: {  	v3 =	vand.u32 $0x7, v3  }
0x39: {  	v3 =	vor.u32 v3, v4  }
0x3a: {  	v4 =	vperm.xlane v3, v0;
	_ =	sdelay $0x1  }
0x3b: {  	v4 =	vadd.s32 v1, v4;
	_ =	sdelay $0x3  }
0x3c: {  	v3 =	vperm.xlane v3, v2  }
0x3d: {  	[hbm4b:s2+s3] =	stream.indirect_vreg.scatter [tilespmem:s15], [sflag:$0x1], $0x80, v4, vm0, $0xb8;
	[tilespmem:$0xC100] =	vst v63  }
0x3e: {  	v3 =	vadd.s32 v1, v3  }
0x3f: {  	[hbm4b:s4+s3] =	stream.indirect_vreg.scatter [tilespmem:s16], [sflag:$0x1], $0x80, v4, vm0, $0xb8;
	[tilespmem:$0xC100] =	vst v63  }
0x40: {  	_ = 	snop  }
0x41: {  	[hbm4b:s5+s3] =	stream.indirect_vreg.scatter [tilespmem:s17], [sflag:$0x1], $0x80, v4, vm0, $0xb8;
	[tilespmem:$0xC100] =	vst v63  }
0x42: {  	_ = 	snop  }
0x43: {  	[hbm4b:s2+s3] =	stream.indirect_vreg.scatter [tilespmem:s18], [sflag:$0x1], $0x80, v3, vm0, $0xb8;
	[tilespmem:$0xC100] =	vst v63  }
0x44: {  	_ = 	snop  }
0x45: {  	[hbm4b:s4+s3] =	stream.indirect_vreg.scatter [tilespmem:s19], [sflag:$0x1], $0x80, v3, vm0, $0xb8;
	[tilespmem:$0xC100] =	vst v63  }
0x46: {  	_ = 	snop  }
0x47: {  	[hbm4b:s5+s3] =	stream.indirect_vreg.scatter [tilespmem:s20], [sflag:$0x1], $0x80, v3, vm0, $0xb8;
	[tilespmem:$0xC100] =	vst v63  }
0x48: {  	v3 =	vld [tilespmem:$0x20];
	_ =	sdelay $0x4  }
0x49: {  	v58 =	vshrl.u32 v3, $0x3  }
0x4a: {  	v4 =	vmul.u32 $0x30, v58  }
0x4b: {  	v3 =	vand.u32 $0x7, v3  }
0x4c: {  	v3 =	vor.u32 v3, v4  }
0x4d: {  	v4 =	vperm.xlane v3, v0;
	_ =	sdelay $0x1  }
0x4e: {  	v4 =	vadd.s32 v1, v4;
	_ =	sdelay $0x3  }
0x4f: {  	v3 =	vperm.xlane v3, v2  }
0x50: {  	[hbm4b:s2+s3] =	stream.indirect_vreg.scatter [tilespmem:s21], [sflag:$0x1], $0x80, v4, vm0, $0xb8;
	[tilespmem:$0xC100] =	vst v63  }
0x51: {  	v3 =	vadd.s32 v1, v3  }
0x52: {  	[hbm4b:s4+s3] =	stream.indirect_vreg.scatter [tilespmem:s22], [sflag:$0x1], $0x80, v4, vm0, $0xb8;
	[tilespmem:$0xC100] =	vst v63  }
0x53: {  	_ = 	snop  }
0x54: {  	[hbm4b:s5+s3] =	stream.indirect_vreg.scatter [tilespmem:s23], [sflag:$0x1], $0x80, v4, vm0, $0xb8;
	[tilespmem:$0xC100] =	vst v63  }
0x55: {  	_ = 	snop  }
0x56: {  	[hbm4b:s2+s3] =	stream.indirect_vreg.scatter [tilespmem:s24], [sflag:$0x1], $0x80, v3, vm0, $0xb8;
	[tilespmem:$0xC100] =	vst v63  }
0x57: {  	_ = 	snop  }
0x58: {  	[hbm4b:s4+s3] =	stream.indirect_vreg.scatter [tilespmem:s25], [sflag:$0x1], $0x80, v3, vm0, $0xb8;
	[tilespmem:$0xC100] =	vst v63  }
0x59: {  	_ = 	snop  }
0x5a: {  	[hbm4b:s5+s3] =	stream.indirect_vreg.scatter [tilespmem:s26], [sflag:$0x1], $0x80, v3, vm0, $0xb8;
	[tilespmem:$0xC100] =	vst v63  }
0x5b: {  	v3 =	vld [tilespmem:$0x30];
	_ =	sdelay $0x4  }
0x5c: {  	v59 =	vshrl.u32 v3, $0x3  }
0x5d: {  	v4 =	vmul.u32 $0x30, v59  }
0x5e: {  	v3 =	vand.u32 $0x7, v3  }
0x5f: {  	v3 =	vor.u32 v3, v4  }
0x60: {  	v4 =	vperm.xlane v3, v0;
	_ =	sdelay $0x1  }
0x61: {  	v4 =	vadd.s32 v1, v4;
	_ =	sdelay $0x3  }
0x62: {  	v3 =	vperm.xlane v3, v2  }
0x63: {  	[hbm4b:s2+s3] =	stream.indirect_vreg.scatter [tilespmem:s28], [sflag:$0x1], $0x80, v4, vm0, $0xb8;
	[tilespmem:$0xC100] =	vst v63  }
0x64: {  	v3 =	vadd.s32 v1, v3  }
0x65: {  	[hbm4b:s4+s3] =	stream.indirect_vreg.scatter [tilespmem:s29], [sflag:$0x1], $0x80, v4, vm0, $0xb8;
	[tilespmem:$0xC100] =	vst v63  }
0x66: {  	_ = 	snop  }
0x67: {  	[hbm4b:s5+s3] =	stream.indirect_vreg.scatter [tilespmem:s30], [sflag:$0x1], $0x80, v4, vm0, $0xb8;
	[tilespmem:$0xC100] =	vst v63  }
0x68: {  	_ = 	snop  }
0x69: {  	[hbm4b:s2+s3] =	stream.indirect_vreg.scatter [tilespmem:s31], [sflag:$0x1], $0x80, v3, vm0, $0xb8;
	[tilespmem:$0xC100] =	vst v63  }
0x6a: {  	_ = 	snop  }
0x6b: {  	[hbm4b:s4+s3] =	stream.indirect_vreg.scatter [tilespmem:s1], [sflag:$0x1], $0x80, v3, vm0, $0xb8;
	[tilespmem:$0xC100] =	vst v63  }
0x6c: {  	_ = 	snop  }
0x6d: {  	[hbm4b:s5+s3] =	stream.indirect_vreg.scatter [tilespmem:s0], [sflag:$0x1], $0x80, v3, vm0, $0xb8;
	[tilespmem:$0xC100] =	vst v63  }
0x6e: {  	_ =	swait.ge [sflag:s9], $0xC000  }
0x6f: {  	[sflag:s9] =	ssyncset.done $0x0  }
0x70: {  	[sflag:s9] =	ssyncadd.s32 $0xFFFF4000  }
0x71: {  	v3 =	vld [tilespmem:$0x80];
	_ =	sdelay $0x4  }
0x72: {  	v60 =	vshrl.u32 v3, $0x3  }
0x73: {  	v4 =	vmul.u32 $0x30, v60  }
0x74: {  	v3 =	vand.u32 $0x7, v3  }
0x75: {  	v3 =	vor.u32 v3, v4  }
0x76: {  	v4 =	vperm.xlane v3, v0;
	_ =	sdelay $0x1  }
0x77: {  	v4 =	vadd.s32 v1, v4;
	_ =	sdelay $0x3  }
0x78: {  	v3 =	vperm.xlane v3, v2  }
0x79: {  	[hbm4b:s2+s3] =	stream.indirect_vreg.scatter [tilespmem:s8], [sflag:$0x1], $0x80, v4, vm0, $0xb8;
	[tilespmem:$0xC100] =	vst v63  }
0x7a: {  	v3 =	vadd.s32 v1, v3  }
0x7b: {  	[hbm4b:s4+s3] =	stream.indirect_vreg.scatter [tilespmem:s10], [sflag:$0x1], $0x80, v4, vm0, $0xb8;
	[tilespmem:$0xC100] =	vst v63  }
0x7c: {  	_ = 	snop  }
0x7d: {  	[hbm4b:s5+s3] =	stream.indirect_vreg.scatter [tilespmem:s11], [sflag:$0x1], $0x80, v4, vm0, $0xb8;
	[tilespmem:$0xC100] =	vst v63  }
0x7e: {  	_ = 	snop  }
0x7f: {  	[hbm4b:s2+s3] =	stream.indirect_vreg.scatter [tilespmem:s12], [sflag:$0x1], $0x80, v3, vm0, $0xb8;
	[tilespmem:$0xC100] =	vst v63  }
0x80: {  	_ = 	snop  }
0x81: {  	[hbm4b:s4+s3] =	stream.indirect_vreg.scatter [tilespmem:s13], [sflag:$0x1], $0x80, v3, vm0, $0xb8;
	[tilespmem:$0xC100] =	vst v63  }
0x82: {  	_ = 	snop  }
0x83: {  	[hbm4b:s5+s3] =	stream.indirect_vreg.scatter [tilespmem:s14], [sflag:$0x1], $0x80, v3, vm0, $0xb8;
	[tilespmem:$0xC100] =	vst v63  }
0x84: {  	v3 =	vld [tilespmem:$0x90];
	_ =	sdelay $0x4  }
0x85: {  	v61 =	vshrl.u32 v3, $0x3  }
0x86: {  	v4 =	vmul.u32 $0x30, v61  }
0x87: {  	v3 =	vand.u32 $0x7, v3  }
0x88: {  	v3 =	vor.u32 v3, v4  }
0x89: {  	v4 =	vperm.xlane v3, v0;
	_ =	sdelay $0x1  }
0x8a: {  	v4 =	vadd.s32 v1, v4;
	_ =	sdelay $0x3  }
0x8b: {  	v3 =	vperm.xlane v3, v2  }
0x8c: {  	[hbm4b:s2+s3] =	stream.indirect_vreg.scatter [tilespmem:s15], [sflag:$0x1], $0x80, v4, vm0, $0xb8;
	[tilespmem:$0xC100] =	vst v63  }
0x8d: {  	v3 =	vadd.s32 v1, v3  }
0x8e: {  	[hbm4b:s4+s3] =	stream.indirect_vreg.scatter [tilespmem:s16], [sflag:$0x1], $0x80, v4, vm0, $0xb8;
	[tilespmem:$0xC100] =	vst v63  }
0x8f: {  	_ = 	snop  }
0x90: {  	[hbm4b:s5+s3] =	stream.indirect_vreg.scatter [tilespmem:s17], [sflag:$0x1], $0x80, v4, vm0, $0xb8;
	[tilespmem:$0xC100] =	vst v63  }
0x91: {  	_ = 	snop  }
0x92: {  	[hbm4b:s2+s3] =	stream.indirect_vreg.scatter [tilespmem:s18], [sflag:$0x1], $0x80, v3, vm0, $0xb8;
	[tilespmem:$0xC100] =	vst v63  }
0x93: {  	_ = 	snop  }
0x94: {  	[hbm4b:s4+s3] =	stream.indirect_vreg.scatter [tilespmem:s19], [sflag:$0x1], $0x80, v3, vm0, $0xb8;
	[tilespmem:$0xC100] =	vst v63  }
0x95: {  	_ = 	snop  }
0x96: {  	[hbm4b:s5+s3] =	stream.indirect_vreg.scatter [tilespmem:s20], [sflag:$0x1], $0x80, v3, vm0, $0xb8;
	[tilespmem:$0xC100] =	vst v63  }
0x97: {  	v3 =	vld [tilespmem:$0xA0];
	_ =	sdelay $0x4  }
0x98: {  	v62 =	vshrl.u32 v3, $0x3  }
0x99: {  	v4 =	vmul.u32 $0x30, v62  }
0x9a: {  	v3 =	vand.u32 $0x7, v3  }
0x9b: {  	v3 =	vor.u32 v3, v4  }
0x9c: {  	v4 =	vperm.xlane v3, v0;
	_ =	sdelay $0x1  }
0x9d: {  	v4 =	vadd.s32 v1, v4;
	_ =	sdelay $0x3  }
0x9e: {  	v3 =	vperm.xlane v3, v2  }
0x9f: {  	[hbm4b:s2+s3] =	stream.indirect_vreg.scatter [tilespmem:s21], [sflag:$0x1], $0x80, v4, vm0, $0xb8;
	[tilespmem:$0xC100] =	vst v63  }
0xa0: {  	v3 =	vadd.s32 v1, v3  }
0xa1: {  	[hbm4b:s4+s3] =	stream.indirect_vreg.scatter [tilespmem:s22], [sflag:$0x1], $0x80, v4, vm0, $0xb8;
	[tilespmem:$0xC100] =	vst v63  }
0xa2: {  	_ = 	snop  }
0xa3: {  	[hbm4b:s5+s3] =	stream.indirect_vreg.scatter [tilespmem:s23], [sflag:$0x1], $0x80, v4, vm0, $0xb8;
	[tilespmem:$0xC100] =	vst v63  }
0xa4: {  	_ = 	snop  }
0xa5: {  	[hbm4b:s2+s3] =	stream.indirect_vreg.scatter [tilespmem:s24], [sflag:$0x1], $0x80, v3, vm0, $0xb8;
	[tilespmem:$0xC100] =	vst v63  }
0xa6: {  	_ = 	snop  }
0xa7: {  	[hbm4b:s4+s3] =	stream.indirect_vreg.scatter [tilespmem:s25], [sflag:$0x1], $0x80, v3, vm0, $0xb8;
	[tilespmem:$0xC100] =	vst v63  }
0xa8: {  	_ = 	snop  }
0xa9: {  	[hbm4b:s5+s3] =	stream.indirect_vreg.scatter [tilespmem:s26], [sflag:$0x1], $0x80, v3, vm0, $0xb8;
	[tilespmem:$0xC100] =	vst v63  }
0xaa: {  	v3 =	vld [tilespmem:$0xB0];
	_ =	sdelay $0x4  }
0xab: {  	v63 =	vshrl.u32 v3, $0x3  }
0xac: {  	v4 =	vmul.u32 $0x30, v63  }
0xad: {  	v3 =	vand.u32 $0x7, v3  }
0xae: {  	v3 =	vor.u32 v3, v4  }
0xaf: {  	v4 =	vperm.xlane v3, v0;
	_ =	sdelay $0x1  }
0xb0: {  	v4 =	vadd.s32 v1, v4;
	_ =	sdelay $0x3  }
0xb1: {  	v3 =	vperm.xlane v3, v2  }
0xb2: {  	[hbm4b:s2+s3] =	stream.indirect_vreg.scatter [tilespmem:s28], [sflag:$0x1], $0x80, v4, vm0, $0xb8;
	[tilespmem:$0xC100] =	vst v63  }
0xb3: {  	v3 =	vadd.s32 v1, v3  }
0xb4: {  	[hbm4b:s4+s3] =	stream.indirect_vreg.scatter [tilespmem:s29], [sflag:$0x1], $0x80, v4, vm0, $0xb8;
	[tilespmem:$0xC100] =	vst v63  }
0xb5: {  	_ = 	snop  }
0xb6: {  	[hbm4b:s5+s3] =	stream.indirect_vreg.scatter [tilespmem:s30], [sflag:$0x1], $0x80, v4, vm0, $0xb8;
	[tilespmem:$0xC100] =	vst v63  }
0xb7: {  	_ = 	snop  }
0xb8: {  	[hbm4b:s2+s3] =	stream.indirect_vreg.scatter [tilespmem:s31], [sflag:$0x1], $0x80, v3, vm0, $0xb8;
	[tilespmem:$0xC100] =	vst v63  }
0xb9: {  	p0 =	sne.s32 s6, $0x1  }
0xba: {  	[hbm4b:s4+s3] =	stream.indirect_vreg.scatter [tilespmem:s1], [sflag:$0x1], $0x80, v3, vm0, $0xb8;
	[tilespmem:$0xC100] =	vst v63  }
.Ltmp0:
0xbb: {  	_ = 	snop;
	(pc) =	sbr.rel @p0 .LBB2_1-.Ltmp0, $4  }
0xbc: {  	[hbm4b:s5+s3] =	stream.indirect_vreg.scatter [tilespmem:s0], [sflag:$0x1], $0x80, v3, vm0, $0xb8;
	[tilespmem:$0xC100] =	vst v63  }
0xbd: {  	_ =	swait.ge [sflag:s9], $0xC000  }
0xbe: {  	[sflag:s9] =	ssyncset.done $0x0  }
0xbf: {  	s6 =	sadd.s32 $0xFFFFFFFF, s6;
	[sflag:s9] =	ssyncadd.s32 $0xFFFF4000  }
0xc0: {  	_ =	sfence.sel $0x180000  }
0xc1: {  	[bflag:$0x0] =	sbarrier.arrive $0xFFFF  }
0xc2: {  	_ =	strace $0x90000047  }
0xc3: {  	s0 =	stileid.u32;
	[bflag:$0x2] =	sbarrier.arrive $0xFFFF  }
0xc4: {  	p0 =	sne.s32 s0, $0x0;
	s0 =	rddreg [dreg:$0x3]  }
0xc5: {  	s0 =	sadd.s32 @!p0 $0x100000, s0  }
0xc6: {  	[sflag:s0] =	ssyncadd.tile.s32 @!p0 $0x1;
	_ =	shalt  }
.Lfunc_end2:
_tile_overlayer_lowered:
.L_overlay_start_2:
0xc7: {  	(tag) =	ssettag $0x2  }
0xc8: {  	s0 =	rddreg [dreg:$0x0];
	s2 =	stileid.u32  }
0xc9: {  	s1 =	rddreg [dreg:$0x1];
	p0 =	sne.s32 s2, $0x0  }
0xca: {  	s3 =	rddreg [dreg:$0x2];
	[bflag:$0x3] =	sbarrier.arrive $0xFFFF;
	s2 =	simm.s32 @!p0 $0x1C02  }
0xcb: {  	[timem:s3], [sflag:s2] =	dma.local @!p0 [hbm:s0], s1  }
0xcc: {  	s0 =	simm.s32 @!p0 $0x2  }
0xcd: {  	_ =	swait.ge @!p0 [sflag:s0], s1  }
0xce: {  	s1 =	ssub.s32 @!p0 $0x0, s1;
	[sflag:s0] =	ssyncset.done @!p0 $0x0  }
0xcf: {  	[sflag:s0] =	ssyncadd.s32 @!p0 s1  }
0xd0: {  	[bflag:$0x3] =	sbarrier.arrive $0xFFFF  }
0xd1: {  	_ =	shalt  }

</sc_bundles>
